<compile_context>
chip_gen: v7x
topology: tpu7x:2x2x1
jax: 0.10.2.dev20260603
libtpu: 0.0.44.dev20260713+nightly
codegen_flags: <defaults>
</compile_context>

<pallas_src>
import functools

import jax
import jax.numpy as jnp
from jax import lax
from jax.experimental import pallas as pl
from jax.experimental.pallas import tpu as pltpu
from jax.experimental.pallas import tpu_sc as plsc

_COLS = 2048


def _argmax_t_body(a_ref, idx_ref):
    a = a_ref[...]
    m = jnp.max(a, axis=0)
    rows = lax.broadcasted_iota(jnp.int32, a.shape, 0)
    idx_ref[...] = jnp.min(jnp.where(a == m[None, :], rows, 1 << 30), axis=0)


def _make_sc_gather(v, d, b):
    info = plsc.get_sparse_core_info()
    nc, ns = info.num_cores, info.num_subcores
    nw = nc * ns
    b_per_w = b // nw
    chunk = 128
    n_chunks = b_per_w // chunk
    mesh = plsc.VectorSubcoreMesh(core_axis_name="c", subcore_axis_name="s")

    @functools.partial(
        pl.kernel,
        mesh=mesh,
        out_type=jax.ShapeDtypeStruct((b, d), jnp.float32),
        scratch_types=[
            pltpu.VMEM((n_chunks, chunk), jnp.int32),
            pltpu.VMEM((b_per_w, d), jnp.float32),
            pltpu.VMEM_SHARED((v, d), jnp.float32),
            pltpu.SemaphoreType.DMA,
            pltpu.SemaphoreType.DMA,
            pltpu.SemaphoreType.DMA,
            pltpu.SemaphoreType.DMA,
            pltpu.SemaphoreType.DMA,
        ],
    )
    def gather_kernel(
        table_hbm, idx_hbm, out_hbm, idx_v, rows_v, table_sp, s0, s1, s2, s3, ws
    ):
        gsems = [s0, s1, s2, s3]
        sid = lax.axis_index("s")
        wid = sid * nc + lax.axis_index("c")
        base = wid * b_per_w
        @pl.when(sid == 0)
        def _():
            pltpu.sync_copy(table_hbm, table_sp)

        for j in range(n_chunks):
            pltpu.sync_copy(idx_hbm.at[pl.ds(base + j * chunk, chunk)], idx_v.at[j])
        plsc.subcore_barrier()
        copies = [
            pltpu.async_copy(
                table_sp.at[idx_v.at[j]],
                rows_v.at[pl.ds(j * chunk, chunk)],
                gsems[j],
            )
            for j in range(n_chunks)
        ]
        wcopies = []
        for j, cp in enumerate(copies):
            cp.wait()
            wcopies.append(
                pltpu.async_copy(
                    rows_v.at[pl.ds(j * chunk, chunk)],
                    out_hbm.at[pl.ds(base + j * chunk, chunk)],
                    ws,
                )
            )
        for wc in wcopies:
            wc.wait()

    return gather_kernel


def kernel(frag_attr, embedding_weight):
    n, c = frag_attr.shape
    v, d = embedding_weight.shape
    ft = frag_attr.T
    idx = pl.pallas_call(
        _argmax_t_body,
        grid=(n // _COLS,),
        in_specs=[pl.BlockSpec((c, _COLS), lambda i: (0, i))],
        out_specs=pl.BlockSpec((_COLS,), lambda i: (i,)),
        out_shape=jax.ShapeDtypeStruct((n,), jnp.int32),
    )(ft)
    return _make_sc_gather(v, d, n)(embedding_weight, idx)

# --- scband reference (transcript-rebuilt; emitter-appended) ---
"""Pipeline reference for scband-frag-encoder-65764539236738 (READ-ONLY COPY).

The authoritative reference and input builder live on the scoring server;
editing this copy changes nothing except your own understanding.
"""

import jax, jax.numpy as jnp
import numpy as np


def setup_inputs(seed: int = 0) -> dict:
    key = jax.random.key(seed)
    k1, k2 = jax.random.split(key)
    frag_attr = jax.random.normal(k1, (16384, 1000), dtype=jnp.float32)
    embedding_weight = jax.random.normal(k2, (1000, 128), dtype=jnp.float32) * 0.02
    return {"frag_attr": frag_attr, "embedding_weight": embedding_weight}


def reference(frag_attr, embedding_weight):
    # ordinal_encoding = False path:
    # frag_attr is one-hot-like (num_fragments, in_channels_substructure)
    idx = jnp.argmax(frag_attr, axis=1)
    return jnp.take(embedding_weight, idx, axis=0)

if __name__ == "__main__":
    import jax
    _d = setup_inputs()
    print(jax.jit(kernel)(*tuple(_d.values())))

</pallas_src>

<mosaic_0001>
#map = affine_map<(d0, d1) -> (0, 0)>
#map1 = affine_map<(d0, d1) -> (0)>
module attributes {stable_mosaic.version = 14 : i64} {
  func.func @gather_kernel(%arg0: i32, %arg1: i32, %arg2: memref<1000x128xf32, #tpu.memory_space<hbm>>, %arg3: memref<16384xi32, #tpu.memory_space<hbm>>, %arg4: memref<16384x128xf32, #tpu.memory_space<hbm>>, %arg5: memref<4x128xi32, #tpu.memory_space<vmem>>, %arg6: memref<512x128xf32, #tpu.memory_space<vmem>>, %arg7: memref<1000x128xf32, #tpu.memory_space<vmem_shared>>, %arg8: memref<!tpu.dma_semaphore, #tpu.memory_space<semaphore_mem>>, %arg9: memref<!tpu.dma_semaphore, #tpu.memory_space<semaphore_mem>>, %arg10: memref<!tpu.dma_semaphore, #tpu.memory_space<semaphore_mem>>, %arg11: memref<!tpu.dma_semaphore, #tpu.memory_space<semaphore_mem>>, %arg12: memref<!tpu.dma_semaphore, #tpu.memory_space<semaphore_mem>>) attributes {dimension_semantics = [#tpu.dimension_semantics<core_parallel>, #tpu.dimension_semantics<subcore_parallel>], iteration_bounds = array<i64: 2, 16>, scalar_prefetch = 0 : i64, scratch_operands = 8 : i64, tpu.core_type = #tpu.core_type<sc_vector_subcore>, window_params = [{transform_indices = #map}, {transform_indices = #map1}, {transform_indices = #map}]} {
    %mul3A = arith.constant 2 : i32
    %mul3A_0 = arith.muli %arg1, %mul3A : i32
    %add3A = arith.addi %mul3A_0, %arg0 : i32
    %mul3A_1 = arith.constant 512 : i32
    %mul3A_2 = arith.muli %add3A, %mul3A_1 : i32
    %eq3A = arith.constant 0 : i32
    %eq3A_3 = arith.cmpi eq, %arg1, %eq3A : i32
    %convert_element_type3A = arith.extui %eq3A_3 : i1 to i32
    %cond3A = arith.constant 0 : i32
    %cond3A_4 = arith.cmpi ne, %convert_element_type3A, %cond3A : i32
    scf.if %cond3A_4 {
      "tpu.region"() ({
        %run_scoped3A_182 = tpu.sem_alloc : memref<!tpu.dma_semaphore, #tpu.memory_space<semaphore_mem>>
        tpu.enqueue_dma source(%arg2 : memref<1000x128xf32, #tpu.memory_space<hbm>>) target(%arg7 : memref<1000x128xf32, #tpu.memory_space<vmem_shared>>) target_semaphore(%run_scoped3A_182 : memref<!tpu.dma_semaphore, #tpu.memory_space<semaphore_mem>>)
        tpu.wait_dma2 semaphore(%run_scoped3A_182 : memref<!tpu.dma_semaphore, #tpu.memory_space<semaphore_mem>>) src(%arg2 : memref<1000x128xf32, #tpu.memory_space<hbm>>) dst(%arg7 : memref<1000x128xf32, #tpu.memory_space<vmem_shared>>)
        tpu.yield
      }) : () -> ()
    } else {
    }
    %add3A_5 = arith.constant 0 : i32
    %add3A_6 = arith.addi %mul3A_2, %add3A_5 : i32
    %run_scoped3A = arith.constant 0 : i32
    "tpu.region"() ({
      %run_scoped3A_182 = tpu.sem_alloc : memref<!tpu.dma_semaphore, #tpu.memory_space<semaphore_mem>>
      %dma_start3A_183 = arith.constant 0 : i32
      %dma_start3A_184 = tpu.memref_slice %arg5[%run_scoped3A, %dma_start3A_183] : memref<4x128xi32, #tpu.memory_space<vmem>> -> memref<1x128xi32, #tpu.memory_space<vmem>>
      %dma_start3A_185 = tpu.memref_squeeze %dma_start3A_184 : memref<1x128xi32, #tpu.memory_space<vmem>> -> memref<128xi32, #tpu.memory_space<vmem>>
      %dma_start3A_186 = tpu.memref_slice %arg3[%add3A_6] : memref<16384xi32, #tpu.memory_space<hbm>> -> memref<128xi32, #tpu.memory_space<hbm>>
      %dma_start3A_187 = arith.constant 0 : i32
      %dma_start3A_188 = tpu.memref_slice %arg5[%run_scoped3A, %dma_start3A_187] : memref<4x128xi32, #tpu.memory_space<vmem>> -> memref<1x128xi32, #tpu.memory_space<vmem>>
      %dma_start3A_189 = tpu.memref_squeeze %dma_start3A_188 : memref<1x128xi32, #tpu.memory_space<vmem>> -> memref<128xi32, #tpu.memory_space<vmem>>
      %dma_start3A_190 = tpu.memref_slice %arg3[%add3A_6] : memref<16384xi32, #tpu.memory_space<hbm>> -> memref<128xi32, #tpu.memory_space<hbm>>
      tpu.enqueue_dma source(%dma_start3A_190 : memref<128xi32, #tpu.memory_space<hbm>>) target(%dma_start3A_189 : memref<128xi32, #tpu.memory_space<vmem>>) target_semaphore(%run_scoped3A_182 : memref<!tpu.dma_semaphore, #tpu.memory_space<semaphore_mem>>)
      %dma_wait3A_191 = arith.constant 0 : i32
      %dma_wait3A_192 = tpu.memref_slice %arg5[%run_scoped3A, %dma_wait3A_191] : memref<4x128xi32, #tpu.memory_space<vmem>> -> memref<1x128xi32, #tpu.memory_space<vmem>>
      %dma_wait3A_193 = tpu.memref_squeeze %dma_wait3A_192 : memref<1x128xi32, #tpu.memory_space<vmem>> -> memref<128xi32, #tpu.memory_space<vmem>>
      %dma_wait3A_194 = tpu.memref_slice %arg3[%add3A_6] : memref<16384xi32, #tpu.memory_space<hbm>> -> memref<128xi32, #tpu.memory_space<hbm>>
      %dma_wait3A_195 = arith.constant 0 : i32
      %dma_wait3A_196 = tpu.memref_slice %arg5[%run_scoped3A, %dma_wait3A_195] : memref<4x128xi32, #tpu.memory_space<vmem>> -> memref<1x128xi32, #tpu.memory_space<vmem>>
      %dma_wait3A_197 = tpu.memref_squeeze %dma_wait3A_196 : memref<1x128xi32, #tpu.memory_space<vmem>> -> memref<128xi32, #tpu.memory_space<vmem>>
      %dma_wait3A_198 = tpu.memref_slice %arg3[%add3A_6] : memref<16384xi32, #tpu.memory_space<hbm>> -> memref<128xi32, #tpu.memory_space<hbm>>
      tpu.wait_dma2 semaphore(%run_scoped3A_182 : memref<!tpu.dma_semaphore, #tpu.memory_space<semaphore_mem>>) src(%dma_wait3A_198 : memref<128xi32, #tpu.memory_space<hbm>>) dst(%dma_wait3A_197 : memref<128xi32, #tpu.memory_space<vmem>>)
      tpu.yield
    }) : () -> ()
    %add3A_7 = arith.constant 128 : i32
    %add3A_8 = arith.addi %mul3A_2, %add3A_7 : i32
    %run_scoped3A_9 = arith.constant 1 : i32
    "tpu.region"() ({
      %run_scoped3A_182 = tpu.sem_alloc : memref<!tpu.dma_semaphore, #tpu.memory_space<semaphore_mem>>
      %dma_start3A_183 = arith.constant 0 : i32
      %dma_start3A_184 = tpu.memref_slice %arg5[%run_scoped3A_9, %dma_start3A_183] : memref<4x128xi32, #tpu.memory_space<vmem>> -> memref<1x128xi32, #tpu.memory_space<vmem>>
      %dma_start3A_185 = tpu.memref_squeeze %dma_start3A_184 : memref<1x128xi32, #tpu.memory_space<vmem>> -> memref<128xi32, #tpu.memory_space<vmem>>
      %dma_start3A_186 = tpu.memref_slice %arg3[%add3A_8] : memref<16384xi32, #tpu.memory_space<hbm>> -> memref<128xi32, #tpu.memory_space<hbm>>
      %dma_start3A_187 = arith.constant 0 : i32
      %dma_start3A_188 = tpu.memref_slice %arg5[%run_scoped3A_9, %dma_start3A_187] : memref<4x128xi32, #tpu.memory_space<vmem>> -> memref<1x128xi32, #tpu.memory_space<vmem>>
      %dma_start3A_189 = tpu.memref_squeeze %dma_start3A_188 : memref<1x128xi32, #tpu.memory_space<vmem>> -> memref<128xi32, #tpu.memory_space<vmem>>
      %dma_start3A_190 = tpu.memref_slice %arg3[%add3A_8] : memref<16384xi32, #tpu.memory_space<hbm>> -> memref<128xi32, #tpu.memory_space<hbm>>
      tpu.enqueue_dma source(%dma_start3A_190 : memref<128xi32, #tpu.memory_space<hbm>>) target(%dma_start3A_189 : memref<128xi32, #tpu.memory_space<vmem>>) target_semaphore(%run_scoped3A_182 : memref<!tpu.dma_semaphore, #tpu.memory_space<semaphore_mem>>)
      %dma_wait3A_191 = arith.constant 0 : i32
      %dma_wait3A_192 = tpu.memref_slice %arg5[%run_scoped3A_9, %dma_wait3A_191] : memref<4x128xi32, #tpu.memory_space<vmem>> -> memref<1x128xi32, #tpu.memory_space<vmem>>
      %dma_wait3A_193 = tpu.memref_squeeze %dma_wait3A_192 : memref<1x128xi32, #tpu.memory_space<vmem>> -> memref<128xi32, #tpu.memory_space<vmem>>
      %dma_wait3A_194 = tpu.memref_slice %arg3[%add3A_8] : memref<16384xi32, #tpu.memory_space<hbm>> -> memref<128xi32, #tpu.memory_space<hbm>>
      %dma_wait3A_195 = arith.constant 0 : i32
      %dma_wait3A_196 = tpu.memref_slice %arg5[%run_scoped3A_9, %dma_wait3A_195] : memref<4x128xi32, #tpu.memory_space<vmem>> -> memref<1x128xi32, #tpu.memory_space<vmem>>
      %dma_wait3A_197 = tpu.memref_squeeze %dma_wait3A_196 : memref<1x128xi32, #tpu.memory_space<vmem>> -> memref<128xi32, #tpu.memory_space<vmem>>
      %dma_wait3A_198 = tpu.memref_slice %arg3[%add3A_8] : memref<16384xi32, #tpu.memory_space<hbm>> -> memref<128xi32, #tpu.memory_space<hbm>>
      tpu.wait_dma2 semaphore(%run_scoped3A_182 : memref<!tpu.dma_semaphore, #tpu.memory_space<semaphore_mem>>) src(%dma_wait3A_198 : memref<128xi32, #tpu.memory_space<hbm>>) dst(%dma_wait3A_197 : memref<128xi32, #tpu.memory_space<vmem>>)
      tpu.yield
    }) : () -> ()
    %add3A_10 = arith.constant 256 : i32
    %add3A_11 = arith.addi %mul3A_2, %add3A_10 : i32
    %run_scoped3A_12 = arith.constant 2 : i32
    "tpu.region"() ({
      %run_scoped3A_182 = tpu.sem_alloc : memref<!tpu.dma_semaphore, #tpu.memory_space<semaphore_mem>>
      %dma_start3A_183 = arith.constant 0 : i32
      %dma_start3A_184 = tpu.memref_slice %arg5[%run_scoped3A_12, %dma_start3A_183] : memref<4x128xi32, #tpu.memory_space<vmem>> -> memref<1x128xi32, #tpu.memory_space<vmem>>
      %dma_start3A_185 = tpu.memref_squeeze %dma_start3A_184 : memref<1x128xi32, #tpu.memory_space<vmem>> -> memref<128xi32, #tpu.memory_space<vmem>>
      %dma_start3A_186 = tpu.memref_slice %arg3[%add3A_11] : memref<16384xi32, #tpu.memory_space<hbm>> -> memref<128xi32, #tpu.memory_space<hbm>>
      %dma_start3A_187 = arith.constant 0 : i32
      %dma_start3A_188 = tpu.memref_slice %arg5[%run_scoped3A_12, %dma_start3A_187] : memref<4x128xi32, #tpu.memory_space<vmem>> -> memref<1x128xi32, #tpu.memory_space<vmem>>
      %dma_start3A_189 = tpu.memref_squeeze %dma_start3A_188 : memref<1x128xi32, #tpu.memory_space<vmem>> -> memref<128xi32, #tpu.memory_space<vmem>>
      %dma_start3A_190 = tpu.memref_slice %arg3[%add3A_11] : memref<16384xi32, #tpu.memory_space<hbm>> -> memref<128xi32, #tpu.memory_space<hbm>>
      tpu.enqueue_dma source(%dma_start3A_190 : memref<128xi32, #tpu.memory_space<hbm>>) target(%dma_start3A_189 : memref<128xi32, #tpu.memory_space<vmem>>) target_semaphore(%run_scoped3A_182 : memref<!tpu.dma_semaphore, #tpu.memory_space<semaphore_mem>>)
      %dma_wait3A_191 = arith.constant 0 : i32
      %dma_wait3A_192 = tpu.memref_slice %arg5[%run_scoped3A_12, %dma_wait3A_191] : memref<4x128xi32, #tpu.memory_space<vmem>> -> memref<1x128xi32, #tpu.memory_space<vmem>>
      %dma_wait3A_193 = tpu.memref_squeeze %dma_wait3A_192 : memref<1x128xi32, #tpu.memory_space<vmem>> -> memref<128xi32, #tpu.memory_space<vmem>>
      %dma_wait3A_194 = tpu.memref_slice %arg3[%add3A_11] : memref<16384xi32, #tpu.memory_space<hbm>> -> memref<128xi32, #tpu.memory_space<hbm>>
      %dma_wait3A_195 = arith.constant 0 : i32
      %dma_wait3A_196 = tpu.memref_slice %arg5[%run_scoped3A_12, %dma_wait3A_195] : memref<4x128xi32, #tpu.memory_space<vmem>> -> memref<1x128xi32, #tpu.memory_space<vmem>>
      %dma_wait3A_197 = tpu.memref_squeeze %dma_wait3A_196 : memref<1x128xi32, #tpu.memory_space<vmem>> -> memref<128xi32, #tpu.memory_space<vmem>>
      %dma_wait3A_198 = tpu.memref_slice %arg3[%add3A_11] : memref<16384xi32, #tpu.memory_space<hbm>> -> memref<128xi32, #tpu.memory_space<hbm>>
      tpu.wait_dma2 semaphore(%run_scoped3A_182 : memref<!tpu.dma_semaphore, #tpu.memory_space<semaphore_mem>>) src(%dma_wait3A_198 : memref<128xi32, #tpu.memory_space<hbm>>) dst(%dma_wait3A_197 : memref<128xi32, #tpu.memory_space<vmem>>)
      tpu.yield
    }) : () -> ()
    %add3A_13 = arith.constant 384 : i32
    %add3A_14 = arith.addi %mul3A_2, %add3A_13 : i32
    %run_scoped3A_15 = arith.constant 3 : i32
    "tpu.region"() ({
      %run_scoped3A_182 = tpu.sem_alloc : memref<!tpu.dma_semaphore, #tpu.memory_space<semaphore_mem>>
      %dma_start3A_183 = arith.constant 0 : i32
      %dma_start3A_184 = tpu.memref_slice %arg5[%run_scoped3A_15, %dma_start3A_183] : memref<4x128xi32, #tpu.memory_space<vmem>> -> memref<1x128xi32, #tpu.memory_space<vmem>>
      %dma_start3A_185 = tpu.memref_squeeze %dma_start3A_184 : memref<1x128xi32, #tpu.memory_space<vmem>> -> memref<128xi32, #tpu.memory_space<vmem>>
      %dma_start3A_186 = tpu.memref_slice %arg3[%add3A_14] : memref<16384xi32, #tpu.memory_space<hbm>> -> memref<128xi32, #tpu.memory_space<hbm>>
      %dma_start3A_187 = arith.constant 0 : i32
      %dma_start3A_188 = tpu.memref_slice %arg5[%run_scoped3A_15, %dma_start3A_187] : memref<4x128xi32, #tpu.memory_space<vmem>> -> memref<1x128xi32, #tpu.memory_space<vmem>>
      %dma_start3A_189 = tpu.memref_squeeze %dma_start3A_188 : memref<1x128xi32, #tpu.memory_space<vmem>> -> memref<128xi32, #tpu.memory_space<vmem>>
      %dma_start3A_190 = tpu.memref_slice %arg3[%add3A_14] : memref<16384xi32, #tpu.memory_space<hbm>> -> memref<128xi32, #tpu.memory_space<hbm>>
      tpu.enqueue_dma source(%dma_start3A_190 : memref<128xi32, #tpu.memory_space<hbm>>) target(%dma_start3A_189 : memref<128xi32, #tpu.memory_space<vmem>>) target_semaphore(%run_scoped3A_182 : memref<!tpu.dma_semaphore, #tpu.memory_space<semaphore_mem>>)
      %dma_wait3A_191 = arith.constant 0 : i32
      %dma_wait3A_192 = tpu.memref_slice %arg5[%run_scoped3A_15, %dma_wait3A_191] : memref<4x128xi32, #tpu.memory_space<vmem>> -> memref<1x128xi32, #tpu.memory_space<vmem>>
      %dma_wait3A_193 = tpu.memref_squeeze %dma_wait3A_192 : memref<1x128xi32, #tpu.memory_space<vmem>> -> memref<128xi32, #tpu.memory_space<vmem>>
      %dma_wait3A_194 = tpu.memref_slice %arg3[%add3A_14] : memref<16384xi32, #tpu.memory_space<hbm>> -> memref<128xi32, #tpu.memory_space<hbm>>
      %dma_wait3A_195 = arith.constant 0 : i32
      %dma_wait3A_196 = tpu.memref_slice %arg5[%run_scoped3A_15, %dma_wait3A_195] : memref<4x128xi32, #tpu.memory_space<vmem>> -> memref<1x128xi32, #tpu.memory_space<vmem>>
      %dma_wait3A_197 = tpu.memref_squeeze %dma_wait3A_196 : memref<1x128xi32, #tpu.memory_space<vmem>> -> memref<128xi32, #tpu.memory_space<vmem>>
      %dma_wait3A_198 = tpu.memref_slice %arg3[%add3A_14] : memref<16384xi32, #tpu.memory_space<hbm>> -> memref<128xi32, #tpu.memory_space<hbm>>
      tpu.wait_dma2 semaphore(%run_scoped3A_182 : memref<!tpu.dma_semaphore, #tpu.memory_space<semaphore_mem>>) src(%dma_wait3A_198 : memref<128xi32, #tpu.memory_space<hbm>>) dst(%dma_wait3A_197 : memref<128xi32, #tpu.memory_space<vmem>>)
      tpu.yield
    }) : () -> ()
    %barrier3A = arith.constant 0 : index
    tpu.barrier barrier_id(%barrier3A)
    %dma_start3A = arith.constant 0 : i32
    %dma_start3A_16 = arith.constant 0 : i32
    %dma_start3A_17 = arith.constant 0 : i32
    %dma_start3A_18 = tpu.memref_slice %arg6[%dma_start3A_16, %dma_start3A_17] : memref<512x128xf32, #tpu.memory_space<vmem>> -> memref<128x128xf32, #tpu.memory_space<vmem>>
    %dma_start3A_19 = arith.constant 0 : i32
    %dma_start3A_20 = tpu.memref_slice %arg5[%dma_start3A, %dma_start3A_19] : memref<4x128xi32, #tpu.memory_space<vmem>> -> memref<1x128xi32, #tpu.memory_space<vmem>>
    %dma_start3A_21 = tpu.memref_squeeze %dma_start3A_20 : memref<1x128xi32, #tpu.memory_space<vmem>> -> memref<128xi32, #tpu.memory_space<vmem>>
    %dma_start3A_22 = arith.constant 0 : i32
    %dma_start3A_23 = arith.constant 0 : i32
    %dma_start3A_24 = tpu.memref_slice %arg7[%dma_start3A_22, %dma_start3A_23] : memref<1000x128xf32, #tpu.memory_space<vmem_shared>> -> memref<1000x128xf32, #tpu.memory_space<vmem_shared>>
    tpu.enqueue_indirect_dma source(%dma_start3A_24 : memref<1000x128xf32, #tpu.memory_space<vmem_shared>>) target(%dma_start3A_18 : memref<128x128xf32, #tpu.memory_space<vmem>>) offsets(%dma_start3A_21 : memref<128xi32, #tpu.memory_space<vmem>>) semaphore(%arg8 : memref<!tpu.dma_semaphore, #tpu.memory_space<semaphore_mem>>)
    %dma_start3A_25 = arith.constant 1 : i32
    %dma_start3A_26 = arith.constant 128 : i32
    %dma_start3A_27 = arith.constant 0 : i32
    %dma_start3A_28 = tpu.memref_slice %arg6[%dma_start3A_26, %dma_start3A_27] : memref<512x128xf32, #tpu.memory_space<vmem>> -> memref<128x128xf32, #tpu.memory_space<vmem>>
    %dma_start3A_29 = arith.constant 0 : i32
    %dma_start3A_30 = tpu.memref_slice %arg5[%dma_start3A_25, %dma_start3A_29] : memref<4x128xi32, #tpu.memory_space<vmem>> -> memref<1x128xi32, #tpu.memory_space<vmem>>
    %dma_start3A_31 = tpu.memref_squeeze %dma_start3A_30 : memref<1x128xi32, #tpu.memory_space<vmem>> -> memref<128xi32, #tpu.memory_space<vmem>>
    %dma_start3A_32 = arith.constant 0 : i32
    %dma_start3A_33 = arith.constant 0 : i32
    %dma_start3A_34 = tpu.memref_slice %arg7[%dma_start3A_32, %dma_start3A_33] : memref<1000x128xf32, #tpu.memory_space<vmem_shared>> -> memref<1000x128xf32, #tpu.memory_space<vmem_shared>>
    tpu.enqueue_indirect_dma source(%dma_start3A_34 : memref<1000x128xf32, #tpu.memory_space<vmem_shared>>) target(%dma_start3A_28 : memref<128x128xf32, #tpu.memory_space<vmem>>) offsets(%dma_start3A_31 : memref<128xi32, #tpu.memory_space<vmem>>) semaphore(%arg9 : memref<!tpu.dma_semaphore, #tpu.memory_space<semaphore_mem>>)
    %dma_start3A_35 = arith.constant 2 : i32
    %dma_start3A_36 = arith.constant 256 : i32
    %dma_start3A_37 = arith.constant 0 : i32
    %dma_start3A_38 = tpu.memref_slice %arg6[%dma_start3A_36, %dma_start3A_37] : memref<512x128xf32, #tpu.memory_space<vmem>> -> memref<128x128xf32, #tpu.memory_space<vmem>>
    %dma_start3A_39 = arith.constant 0 : i32
    %dma_start3A_40 = tpu.memref_slice %arg5[%dma_start3A_35, %dma_start3A_39] : memref<4x128xi32, #tpu.memory_space<vmem>> -> memref<1x128xi32, #tpu.memory_space<vmem>>
    %dma_start3A_41 = tpu.memref_squeeze %dma_start3A_40 : memref<1x128xi32, #tpu.memory_space<vmem>> -> memref<128xi32, #tpu.memory_space<vmem>>
    %dma_start3A_42 = arith.constant 0 : i32
    %dma_start3A_43 = arith.constant 0 : i32
    %dma_start3A_44 = tpu.memref_slice %arg7[%dma_start3A_42, %dma_start3A_43] : memref<1000x128xf32, #tpu.memory_space<vmem_shared>> -> memref<1000x128xf32, #tpu.memory_space<vmem_shared>>
    tpu.enqueue_indirect_dma source(%dma_start3A_44 : memref<1000x128xf32, #tpu.memory_space<vmem_shared>>) target(%dma_start3A_38 : memref<128x128xf32, #tpu.memory_space<vmem>>) offsets(%dma_start3A_41 : memref<128xi32, #tpu.memory_space<vmem>>) semaphore(%arg10 : memref<!tpu.dma_semaphore, #tpu.memory_space<semaphore_mem>>)
    %dma_start3A_45 = arith.constant 3 : i32
    %dma_start3A_46 = arith.constant 384 : i32
    %dma_start3A_47 = arith.constant 0 : i32
    %dma_start3A_48 = tpu.memref_slice %arg6[%dma_start3A_46, %dma_start3A_47] : memref<512x128xf32, #tpu.memory_space<vmem>> -> memref<128x128xf32, #tpu.memory_space<vmem>>
    %dma_start3A_49 = arith.constant 0 : i32
    %dma_start3A_50 = tpu.memref_slice %arg5[%dma_start3A_45, %dma_start3A_49] : memref<4x128xi32, #tpu.memory_space<vmem>> -> memref<1x128xi32, #tpu.memory_space<vmem>>
    %dma_start3A_51 = tpu.memref_squeeze %dma_start3A_50 : memref<1x128xi32, #tpu.memory_space<vmem>> -> memref<128xi32, #tpu.memory_space<vmem>>
    %dma_start3A_52 = arith.constant 0 : i32
    %dma_start3A_53 = arith.constant 0 : i32
    %dma_start3A_54 = tpu.memref_slice %arg7[%dma_start3A_52, %dma_start3A_53] : memref<1000x128xf32, #tpu.memory_space<vmem_shared>> -> memref<1000x128xf32, #tpu.memory_space<vmem_shared>>
    tpu.enqueue_indirect_dma source(%dma_start3A_54 : memref<1000x128xf32, #tpu.memory_space<vmem_shared>>) target(%dma_start3A_48 : memref<128x128xf32, #tpu.memory_space<vmem>>) offsets(%dma_start3A_51 : memref<128xi32, #tpu.memory_space<vmem>>) semaphore(%arg11 : memref<!tpu.dma_semaphore, #tpu.memory_space<semaphore_mem>>)
    %dma_wait3A = arith.constant 0 : i32
    %dma_wait3A_55 = arith.constant 0 : i32
    %dma_wait3A_56 = arith.constant 0 : i32
    %dma_wait3A_57 = tpu.memref_slice %arg6[%dma_wait3A_55, %dma_wait3A_56] : memref<512x128xf32, #tpu.memory_space<vmem>> -> memref<128x128xf32, #tpu.memory_space<vmem>>
    %dma_wait3A_58 = arith.constant 0 : i32
    %dma_wait3A_59 = tpu.memref_slice %arg5[%dma_wait3A, %dma_wait3A_58] : memref<4x128xi32, #tpu.memory_space<vmem>> -> memref<1x128xi32, #tpu.memory_space<vmem>>
    %dma_wait3A_60 = tpu.memref_squeeze %dma_wait3A_59 : memref<1x128xi32, #tpu.memory_space<vmem>> -> memref<128xi32, #tpu.memory_space<vmem>>
    %dma_wait3A_61 = arith.constant 0 : i32
    %dma_wait3A_62 = arith.constant 0 : i32
    %dma_wait3A_63 = tpu.memref_slice %arg7[%dma_wait3A_61, %dma_wait3A_62] : memref<1000x128xf32, #tpu.memory_space<vmem_shared>> -> memref<1000x128xf32, #tpu.memory_space<vmem_shared>>
    tpu.wait_indirect_dma semaphore(%arg8 : memref<!tpu.dma_semaphore, #tpu.memory_space<semaphore_mem>>) src(%dma_wait3A_63 : memref<1000x128xf32, #tpu.memory_space<vmem_shared>>) dst(%dma_wait3A_57 : memref<128x128xf32, #tpu.memory_space<vmem>>)
    %add3A_64 = arith.constant 0 : i32
    %add3A_65 = arith.addi %mul3A_2, %add3A_64 : i32
    %dma_start3A_66 = arith.constant 0 : i32
    %dma_start3A_67 = arith.constant 0 : i32
    %dma_start3A_68 = tpu.memref_slice %arg6[%dma_start3A_66, %dma_start3A_67] : memref<512x128xf32, #tpu.memory_space<vmem>> -> memref<128x128xf32, #tpu.memory_space<vmem>>
    %dma_start3A_69 = arith.constant 0 : i32
    %dma_start3A_70 = tpu.memref_slice %arg4[%add3A_65, %dma_start3A_69] : memref<16384x128xf32, #tpu.memory_space<hbm>> -> memref<128x128xf32, #tpu.memory_space<hbm>>
    %dma_start3A_71 = arith.constant 0 : i32
    %dma_start3A_72 = tpu.memref_slice %arg4[%add3A_65, %dma_start3A_71] : memref<16384x128xf32, #tpu.memory_space<hbm>> -> memref<128x128xf32, #tpu.memory_space<hbm>>
    %dma_start3A_73 = arith.constant 0 : i32
    %dma_start3A_74 = arith.constant 0 : i32
    %dma_start3A_75 = tpu.memref_slice %arg6[%dma_start3A_73, %dma_start3A_74] : memref<512x128xf32, #tpu.memory_space<vmem>> -> memref<128x128xf32, #tpu.memory_space<vmem>>
    tpu.enqueue_dma source(%dma_start3A_75 : memref<128x128xf32, #tpu.memory_space<vmem>>) target(%dma_start3A_72 : memref<128x128xf32, #tpu.memory_space<hbm>>) target_semaphore(%arg12 : memref<!tpu.dma_semaphore, #tpu.memory_space<semaphore_mem>>)
    %dma_wait3A_76 = arith.constant 1 : i32
    %dma_wait3A_77 = arith.constant 128 : i32
    %dma_wait3A_78 = arith.constant 0 : i32
    %dma_wait3A_79 = tpu.memref_slice %arg6[%dma_wait3A_77, %dma_wait3A_78] : memref<512x128xf32, #tpu.memory_space<vmem>> -> memref<128x128xf32, #tpu.memory_space<vmem>>
    %dma_wait3A_80 = arith.constant 0 : i32
    %dma_wait3A_81 = tpu.memref_slice %arg5[%dma_wait3A_76, %dma_wait3A_80] : memref<4x128xi32, #tpu.memory_space<vmem>> -> memref<1x128xi32, #tpu.memory_space<vmem>>
    %dma_wait3A_82 = tpu.memref_squeeze %dma_wait3A_81 : memref<1x128xi32, #tpu.memory_space<vmem>> -> memref<128xi32, #tpu.memory_space<vmem>>
    %dma_wait3A_83 = arith.constant 0 : i32
    %dma_wait3A_84 = arith.constant 0 : i32
    %dma_wait3A_85 = tpu.memref_slice %arg7[%dma_wait3A_83, %dma_wait3A_84] : memref<1000x128xf32, #tpu.memory_space<vmem_shared>> -> memref<1000x128xf32, #tpu.memory_space<vmem_shared>>
    tpu.wait_indirect_dma semaphore(%arg9 : memref<!tpu.dma_semaphore, #tpu.memory_space<semaphore_mem>>) src(%dma_wait3A_85 : memref<1000x128xf32, #tpu.memory_space<vmem_shared>>) dst(%dma_wait3A_79 : memref<128x128xf32, #tpu.memory_space<vmem>>)
    %add3A_86 = arith.constant 128 : i32
    %add3A_87 = arith.addi %mul3A_2, %add3A_86 : i32
    %dma_start3A_88 = arith.constant 128 : i32
    %dma_start3A_89 = arith.constant 0 : i32
    %dma_start3A_90 = tpu.memref_slice %arg6[%dma_start3A_88, %dma_start3A_89] : memref<512x128xf32, #tpu.memory_space<vmem>> -> memref<128x128xf32, #tpu.memory_space<vmem>>
    %dma_start3A_91 = arith.constant 0 : i32
    %dma_start3A_92 = tpu.memref_slice %arg4[%add3A_87, %dma_start3A_91] : memref<16384x128xf32, #tpu.memory_space<hbm>> -> memref<128x128xf32, #tpu.memory_space<hbm>>
    %dma_start3A_93 = arith.constant 0 : i32
    %dma_start3A_94 = tpu.memref_slice %arg4[%add3A_87, %dma_start3A_93] : memref<16384x128xf32, #tpu.memory_space<hbm>> -> memref<128x128xf32, #tpu.memory_space<hbm>>
    %dma_start3A_95 = arith.constant 128 : i32
    %dma_start3A_96 = arith.constant 0 : i32
    %dma_start3A_97 = tpu.memref_slice %arg6[%dma_start3A_95, %dma_start3A_96] : memref<512x128xf32, #tpu.memory_space<vmem>> -> memref<128x128xf32, #tpu.memory_space<vmem>>
    tpu.enqueue_dma source(%dma_start3A_97 : memref<128x128xf32, #tpu.memory_space<vmem>>) target(%dma_start3A_94 : memref<128x128xf32, #tpu.memory_space<hbm>>) target_semaphore(%arg12 : memref<!tpu.dma_semaphore, #tpu.memory_space<semaphore_mem>>)
    %dma_wait3A_98 = arith.constant 2 : i32
    %dma_wait3A_99 = arith.constant 256 : i32
    %dma_wait3A_100 = arith.constant 0 : i32
    %dma_wait3A_101 = tpu.memref_slice %arg6[%dma_wait3A_99, %dma_wait3A_100] : memref<512x128xf32, #tpu.memory_space<vmem>> -> memref<128x128xf32, #tpu.memory_space<vmem>>
    %dma_wait3A_102 = arith.constant 0 : i32
    %dma_wait3A_103 = tpu.memref_slice %arg5[%dma_wait3A_98, %dma_wait3A_102] : memref<4x128xi32, #tpu.memory_space<vmem>> -> memref<1x128xi32, #tpu.memory_space<vmem>>
    %dma_wait3A_104 = tpu.memref_squeeze %dma_wait3A_103 : memref<1x128xi32, #tpu.memory_space<vmem>> -> memref<128xi32, #tpu.memory_space<vmem>>
    %dma_wait3A_105 = arith.constant 0 : i32
    %dma_wait3A_106 = arith.constant 0 : i32
    %dma_wait3A_107 = tpu.memref_slice %arg7[%dma_wait3A_105, %dma_wait3A_106] : memref<1000x128xf32, #tpu.memory_space<vmem_shared>> -> memref<1000x128xf32, #tpu.memory_space<vmem_shared>>
    tpu.wait_indirect_dma semaphore(%arg10 : memref<!tpu.dma_semaphore, #tpu.memory_space<semaphore_mem>>) src(%dma_wait3A_107 : memref<1000x128xf32, #tpu.memory_space<vmem_shared>>) dst(%dma_wait3A_101 : memref<128x128xf32, #tpu.memory_space<vmem>>)
    %add3A_108 = arith.constant 256 : i32
    %add3A_109 = arith.addi %mul3A_2, %add3A_108 : i32
    %dma_start3A_110 = arith.constant 256 : i32
    %dma_start3A_111 = arith.constant 0 : i32
    %dma_start3A_112 = tpu.memref_slice %arg6[%dma_start3A_110, %dma_start3A_111] : memref<512x128xf32, #tpu.memory_space<vmem>> -> memref<128x128xf32, #tpu.memory_space<vmem>>
    %dma_start3A_113 = arith.constant 0 : i32
    %dma_start3A_114 = tpu.memref_slice %arg4[%add3A_109, %dma_start3A_113] : memref<16384x128xf32, #tpu.memory_space<hbm>> -> memref<128x128xf32, #tpu.memory_space<hbm>>
    %dma_start3A_115 = arith.constant 0 : i32
    %dma_start3A_116 = tpu.memref_slice %arg4[%add3A_109, %dma_start3A_115] : memref<16384x128xf32, #tpu.memory_space<hbm>> -> memref<128x128xf32, #tpu.memory_space<hbm>>
    %dma_start3A_117 = arith.constant 256 : i32
    %dma_start3A_118 = arith.constant 0 : i32
    %dma_start3A_119 = tpu.memref_slice %arg6[%dma_start3A_117, %dma_start3A_118] : memref<512x128xf32, #tpu.memory_space<vmem>> -> memref<128x128xf32, #tpu.memory_space<vmem>>
    tpu.enqueue_dma source(%dma_start3A_119 : memref<128x128xf32, #tpu.memory_space<vmem>>) target(%dma_start3A_116 : memref<128x128xf32, #tpu.memory_space<hbm>>) target_semaphore(%arg12 : memref<!tpu.dma_semaphore, #tpu.memory_space<semaphore_mem>>)
    %dma_wait3A_120 = arith.constant 3 : i32
    %dma_wait3A_121 = arith.constant 384 : i32
    %dma_wait3A_122 = arith.constant 0 : i32
    %dma_wait3A_123 = tpu.memref_slice %arg6[%dma_wait3A_121, %dma_wait3A_122] : memref<512x128xf32, #tpu.memory_space<vmem>> -> memref<128x128xf32, #tpu.memory_space<vmem>>
    %dma_wait3A_124 = arith.constant 0 : i32
    %dma_wait3A_125 = tpu.memref_slice %arg5[%dma_wait3A_120, %dma_wait3A_124] : memref<4x128xi32, #tpu.memory_space<vmem>> -> memref<1x128xi32, #tpu.memory_space<vmem>>
    %dma_wait3A_126 = tpu.memref_squeeze %dma_wait3A_125 : memref<1x128xi32, #tpu.memory_space<vmem>> -> memref<128xi32, #tpu.memory_space<vmem>>
    %dma_wait3A_127 = arith.constant 0 : i32
    %dma_wait3A_128 = arith.constant 0 : i32
    %dma_wait3A_129 = tpu.memref_slice %arg7[%dma_wait3A_127, %dma_wait3A_128] : memref<1000x128xf32, #tpu.memory_space<vmem_shared>> -> memref<1000x128xf32, #tpu.memory_space<vmem_shared>>
    tpu.wait_indirect_dma semaphore(%arg11 : memref<!tpu.dma_semaphore, #tpu.memory_space<semaphore_mem>>) src(%dma_wait3A_129 : memref<1000x128xf32, #tpu.memory_space<vmem_shared>>) dst(%dma_wait3A_123 : memref<128x128xf32, #tpu.memory_space<vmem>>)
    %add3A_130 = arith.constant 384 : i32
    %add3A_131 = arith.addi %mul3A_2, %add3A_130 : i32
    %dma_start3A_132 = arith.constant 384 : i32
    %dma_start3A_133 = arith.constant 0 : i32
    %dma_start3A_134 = tpu.memref_slice %arg6[%dma_start3A_132, %dma_start3A_133] : memref<512x128xf32, #tpu.memory_space<vmem>> -> memref<128x128xf32, #tpu.memory_space<vmem>>
    %dma_start3A_135 = arith.constant 0 : i32
    %dma_start3A_136 = tpu.memref_slice %arg4[%add3A_131, %dma_start3A_135] : memref<16384x128xf32, #tpu.memory_space<hbm>> -> memref<128x128xf32, #tpu.memory_space<hbm>>
    %dma_start3A_137 = arith.constant 0 : i32
    %dma_start3A_138 = tpu.memref_slice %arg4[%add3A_131, %dma_start3A_137] : memref<16384x128xf32, #tpu.memory_space<hbm>> -> memref<128x128xf32, #tpu.memory_space<hbm>>
    %dma_start3A_139 = arith.constant 384 : i32
    %dma_start3A_140 = arith.constant 0 : i32
    %dma_start3A_141 = tpu.memref_slice %arg6[%dma_start3A_139, %dma_start3A_140] : memref<512x128xf32, #tpu.memory_space<vmem>> -> memref<128x128xf32, #tpu.memory_space<vmem>>
    tpu.enqueue_dma source(%dma_start3A_141 : memref<128x128xf32, #tpu.memory_space<vmem>>) target(%dma_start3A_138 : memref<128x128xf32, #tpu.memory_space<hbm>>) target_semaphore(%arg12 : memref<!tpu.dma_semaphore, #tpu.memory_space<semaphore_mem>>)
    %dma_wait3A_142 = arith.constant 0 : i32
    %dma_wait3A_143 = arith.constant 0 : i32
    %dma_wait3A_144 = tpu.memref_slice %arg6[%dma_wait3A_142, %dma_wait3A_143] : memref<512x128xf32, #tpu.memory_space<vmem>> -> memref<128x128xf32, #tpu.memory_space<vmem>>
    %dma_wait3A_145 = arith.constant 0 : i32
    %dma_wait3A_146 = tpu.memref_slice %arg4[%add3A_65, %dma_wait3A_145] : memref<16384x128xf32, #tpu.memory_space<hbm>> -> memref<128x128xf32, #tpu.memory_space<hbm>>
    %dma_wait3A_147 = arith.constant 0 : i32
    %dma_wait3A_148 = tpu.memref_slice %arg4[%add3A_65, %dma_wait3A_147] : memref<16384x128xf32, #tpu.memory_space<hbm>> -> memref<128x128xf32, #tpu.memory_space<hbm>>
    %dma_wait3A_149 = arith.constant 0 : i32
    %dma_wait3A_150 = arith.constant 0 : i32
    %dma_wait3A_151 = tpu.memref_slice %arg6[%dma_wait3A_149, %dma_wait3A_150] : memref<512x128xf32, #tpu.memory_space<vmem>> -> memref<128x128xf32, #tpu.memory_space<vmem>>
    tpu.wait_dma2 semaphore(%arg12 : memref<!tpu.dma_semaphore, #tpu.memory_space<semaphore_mem>>) src(%dma_wait3A_151 : memref<128x128xf32, #tpu.memory_space<vmem>>) dst(%dma_wait3A_148 : memref<128x128xf32, #tpu.memory_space<hbm>>)
    %dma_wait3A_152 = arith.constant 128 : i32
    %dma_wait3A_153 = arith.constant 0 : i32
    %dma_wait3A_154 = tpu.memref_slice %arg6[%dma_wait3A_152, %dma_wait3A_153] : memref<512x128xf32, #tpu.memory_space<vmem>> -> memref<128x128xf32, #tpu.memory_space<vmem>>
    %dma_wait3A_155 = arith.constant 0 : i32
    %dma_wait3A_156 = tpu.memref_slice %arg4[%add3A_87, %dma_wait3A_155] : memref<16384x128xf32, #tpu.memory_space<hbm>> -> memref<128x128xf32, #tpu.memory_space<hbm>>
    %dma_wait3A_157 = arith.constant 0 : i32
    %dma_wait3A_158 = tpu.memref_slice %arg4[%add3A_87, %dma_wait3A_157] : memref<16384x128xf32, #tpu.memory_space<hbm>> -> memref<128x128xf32, #tpu.memory_space<hbm>>
    %dma_wait3A_159 = arith.constant 128 : i32
    %dma_wait3A_160 = arith.constant 0 : i32
    %dma_wait3A_161 = tpu.memref_slice %arg6[%dma_wait3A_159, %dma_wait3A_160] : memref<512x128xf32, #tpu.memory_space<vmem>> -> memref<128x128xf32, #tpu.memory_space<vmem>>
    tpu.wait_dma2 semaphore(%arg12 : memref<!tpu.dma_semaphore, #tpu.memory_space<semaphore_mem>>) src(%dma_wait3A_161 : memref<128x128xf32, #tpu.memory_space<vmem>>) dst(%dma_wait3A_158 : memref<128x128xf32, #tpu.memory_space<hbm>>)
    %dma_wait3A_162 = arith.constant 256 : i32
    %dma_wait3A_163 = arith.constant 0 : i32
    %dma_wait3A_164 = tpu.memref_slice %arg6[%dma_wait3A_162, %dma_wait3A_163] : memref<512x128xf32, #tpu.memory_space<vmem>> -> memref<128x128xf32, #tpu.memory_space<vmem>>
    %dma_wait3A_165 = arith.constant 0 : i32
    %dma_wait3A_166 = tpu.memref_slice %arg4[%add3A_109, %dma_wait3A_165] : memref<16384x128xf32, #tpu.memory_space<hbm>> -> memref<128x128xf32, #tpu.memory_space<hbm>>
    %dma_wait3A_167 = arith.constant 0 : i32
    %dma_wait3A_168 = tpu.memref_slice %arg4[%add3A_109, %dma_wait3A_167] : memref<16384x128xf32, #tpu.memory_space<hbm>> -> memref<128x128xf32, #tpu.memory_space<hbm>>
    %dma_wait3A_169 = arith.constant 256 : i32
    %dma_wait3A_170 = arith.constant 0 : i32
    %dma_wait3A_171 = tpu.memref_slice %arg6[%dma_wait3A_169, %dma_wait3A_170] : memref<512x128xf32, #tpu.memory_space<vmem>> -> memref<128x128xf32, #tpu.memory_space<vmem>>
    tpu.wait_dma2 semaphore(%arg12 : memref<!tpu.dma_semaphore, #tpu.memory_space<semaphore_mem>>) src(%dma_wait3A_171 : memref<128x128xf32, #tpu.memory_space<vmem>>) dst(%dma_wait3A_168 : memref<128x128xf32, #tpu.memory_space<hbm>>)
    %dma_wait3A_172 = arith.constant 384 : i32
    %dma_wait3A_173 = arith.constant 0 : i32
    %dma_wait3A_174 = tpu.memref_slice %arg6[%dma_wait3A_172, %dma_wait3A_173] : memref<512x128xf32, #tpu.memory_space<vmem>> -> memref<128x128xf32, #tpu.memory_space<vmem>>
    %dma_wait3A_175 = arith.constant 0 : i32
    %dma_wait3A_176 = tpu.memref_slice %arg4[%add3A_131, %dma_wait3A_175] : memref<16384x128xf32, #tpu.memory_space<hbm>> -> memref<128x128xf32, #tpu.memory_space<hbm>>
    %dma_wait3A_177 = arith.constant 0 : i32
    %dma_wait3A_178 = tpu.memref_slice %arg4[%add3A_131, %dma_wait3A_177] : memref<16384x128xf32, #tpu.memory_space<hbm>> -> memref<128x128xf32, #tpu.memory_space<hbm>>
    %dma_wait3A_179 = arith.constant 384 : i32
    %dma_wait3A_180 = arith.constant 0 : i32
    %dma_wait3A_181 = tpu.memref_slice %arg6[%dma_wait3A_179, %dma_wait3A_180] : memref<512x128xf32, #tpu.memory_space<vmem>> -> memref<128x128xf32, #tpu.memory_space<vmem>>
    tpu.wait_dma2 semaphore(%arg12 : memref<!tpu.dma_semaphore, #tpu.memory_space<semaphore_mem>>) src(%dma_wait3A_181 : memref<128x128xf32, #tpu.memory_space<vmem>>) dst(%dma_wait3A_178 : memref<128x128xf32, #tpu.memory_space<hbm>>)
    return
  }
}

module attributes {stable_mosaic.version = 14 : i64} {
  func.func @_argmax_t_body(%arg0: i32, %arg1: memref<1000x2048xf32, #tpu.memory_space<vmem>>, %arg2: memref<2048xi32, #tpu.memory_space<vmem>>) attributes {dimension_semantics = [#tpu.dimension_semantics<arbitrary>], iteration_bounds = array<i64: 8>, scalar_prefetch = 0 : i64, scratch_operands = 0 : i64, tpu.core_type = #tpu.core_type<tc>, window_params = [{transform_indices = @transform_0, window_bounds = array<i64: 1000, 2048>}, {transform_indices = @transform_1, window_bounds = array<i64: 2048>}]} {
    %get3A = arith.constant 0 : index
    %get3A_0 = arith.constant 0 : index
    %get3A_1 = vector.load %arg1[%get3A, %get3A_0] : memref<1000x2048xf32, #tpu.memory_space<vmem>>, vector<1000x2048xf32>
    %reduce_max3A = arith.constant dense<0xFF800000> : vector<2048xf32>
    %reduce_max3A_2 = vector.multi_reduction <maximumf>, %get3A_1, %reduce_max3A [0] : vector<1000x2048xf32> to vector<2048xf32>
    %iota3A = tpu.iota {dimensions = array<i32: 0>} : vector<1000x2048xi32>
    %broadcast_in_dim3A = vector.shape_cast %reduce_max3A_2 : vector<2048xf32> to vector<1x2048xf32>
    %eq3A = vector.broadcast %broadcast_in_dim3A : vector<1x2048xf32> to vector<1000x2048xf32>
    %eq3A_3 = arith.cmpf oeq, %get3A_1, %eq3A : vector<1000x2048xf32>
    %jit3A = arith.constant 1073741824 : i32
    %broadcast_in_dim3A_4 = vector.broadcast %jit3A : i32 to vector<1000x2048xi32>
    %select_n3A = arith.select %eq3A_3, %iota3A, %broadcast_in_dim3A_4 : vector<1000x2048xi1>, vector<1000x2048xi32>
    %reduce_min3A = arith.constant dense<2147483647> : vector<2048xi32>
    %reduce_min3A_5 = vector.multi_reduction <minsi>, %select_n3A, %reduce_min3A [0] : vector<1000x2048xi32> to vector<2048xi32>
    %swap3A = arith.constant 0 : index
    %swap3A_6 = vector.load %arg2[%swap3A] : memref<2048xi32, #tpu.memory_space<vmem>>, vector<2048xi32>
    tpu.vector_store %arg2[%swap3A], %reduce_min3A_5 {strides = array<i32>} : memref<2048xi32, #tpu.memory_space<vmem>>, vector<2048xi32>,
    return
  }
  func.func @transform_0(%arg0: i32) -> (i32, i32) {
    %c0_i32 = arith.constant 0 : i32
    %c0_i32_0 = arith.constant 0 : i32
    return %c0_i32, %arg0 : i32, i32
  }
  func.func @transform_1(%arg0: i32) -> i32 {
    %c0_i32 = arith.constant 0 : i32
    return %arg0 : i32
  }
}

</mosaic_0001>

<sc_bundles>
// kernel: kernel.4.cloned.1.call-start
scs
__scs_entry_jumppad:
0x0: {  	(pc) =	sbr.rel $0x88, $3  }
0x1: {  	(tag) =	ssettag $0x0;
	lr =	simm.s32 $0x1  }
0x2: {  	[smem:$0x3F9F] =	sst lr;
	_ =	strace $0xD0000000  }
0x3: {  	_ = 	snop  }
0x4: {  	_ = 	snop  }
0x5: {  	_ = 	snop  }
0x6: {  	_ = 	snop  }
0x7: {  	_ = 	snop  }
__scs_overlays_trampoline_lowered:
0x8: {  	[smem:$0x3FAE] =	sst s0  }
0x9: {  	[smem:$0x3FAF] =	sst s1  }
0xa: {  	[smem:$0x3FB0] =	sst s2  }
0xb: {  	[smem:$0x3FB1] =	sst s3  }
0xc: {  	[smem:$0x3FB2] =	sst s4  }
0xd: {  	[smem:$0x3FB3] =	sst s5  }
0xe: {  	[smem:$0x3FB4] =	sst s6  }
0xf: {  	[smem:$0x3FB5] =	sst s7  }
0x10: {  	[smem:$0x3FB6] =	sst s8  }
0x11: {  	[smem:$0x3FB7] =	sst s9;
	s0 =	simm.s32 @!p0 $0x0  }
0x12: {  	s1 =	sld [smem:$0x3F9D];
	s0 =	simm.s32 @p0 $0x1  }
0x13: {  	[smem:$0x3FB8] =	sst s0;
	s0 =	simm.s32 @!p1 $0x0  }
0x14: {  	s2 =	sld [smem:$0x3F9C];
	s0 =	simm.s32 @p1 $0x1  }
0x15: {  	[smem:$0x3FB9] =	sst s0;
	s0 =	simm.s32 @!p2 $0x0  }
0x16: {  	s3 =	sld [smem:$0x3FDB];
	s0 =	simm.s32 @p2 $0x1  }
0x17: {  	s4 =	simm.s32 $0x1BF5;
	[smem:$0x3FBB] =	sst s0  }
0x18: {  	s0 =	sld [smem:$0x3F9E];
	_ =	swait.ge [sflag:s4], $0x0  }
0x19: {  	s7 =	sld [smem:$0x3F9F]  }
0x1a: {  	s8 =	sadd.s32 $0xFFFFE003, lr  }
0x1b: {  	s9 =	sadd.s32 $0xFFFFFEF7, lr;
	s5 =	simm.s32 $0xFFFFFFFF;
	p2 =	slt.u32 s8, $0xFFFFF086  }
0x1c: {  	p1 =	slt.u32 s9, $0xF7A;
	s5 =	simm.s32 @!p2 $0x0  }
0x1d: {  	s5 =	simm.s32 @p1 $0x1;
	p0 =	seq.s32 s7, s2  }
0x1e: {  	s7 =	smul.u32 @!p0 $0xF7A, s2;
	p2 =	seq.s32 @!p0 s5, $0x0  }
0x1f: {  	s9 =	smul.u32 $0xF7A, s1;
	s8 =	simm.s32 @!p0 $0x1BF5;
	p2 =	por !p2, p0  }
0x20: {  	[sflag:s8] =	ssyncset.s32 @!p0 $0xFFFFF086;
	s6 =	sadd.s32 @!p0 s3, s7;
	s7 =	simm.s32 @!p0 $0x108  }
0x21: {  	s3 =	sadd.s32 s3, s9;
	s6 =	sadd.s32 @!p0 $0x88, s6;
	s7 =	simm.s32 @p2 $0x1082  }
0x22: {  	[simem:s7], [sflag:s8] =	dma.local @!p0 [hbm:s6], $0xF7A  }
0x23: {  	s9 =	sor.u32 $0xD0000000, s2;
	s6 =	simm.s32 $0x108;
	_ =	swait.ge @!p0 [sflag:s8], $0x0  }
0x24: {  	s3 =	sadd.s32 $0x88, s3;
	s6 =	simm.s32 @!p1 $0x1082;
	[sflag:s4] =	ssyncset.s32 $0xFFFFF086  }
0x25: {  	[simem:s6], [sflag:s4] =	dma.local [hbm:s3], $0xF7A  }
0x26: {  	[smem:$0x3F9F] =	sst s1;
	(tag) =	ssettag s2;
	_ =	strace s9  }
0x27: {  	s1 =	sld [smem:$0x3FAF]  }
0x28: {  	s2 =	sld [smem:$0x3FB0]  }
0x29: {  	s4 =	sld [smem:$0x3FB2]  }
0x2a: {  	p0 =	seq.s32 s5, $0x0;
	s5 =	sld [smem:$0x3FB3]  }
0x2b: {  	s6 =	sld [smem:$0x3FB4]  }
0x2c: {  	s7 =	sld [smem:$0x3FB5]  }
0x2d: {  	s3 =	simm.s32 $0x108;
	s8 =	sld [smem:$0x3FB6]  }
0x2e: {  	s3 =	simm.s32 @!p0 $0x1082;
	s9 =	sld [smem:$0x3FB7]  }
0x2f: {  	lr =	sadd.s32 s0, s3;
	s0 =	sld [smem:$0x3FAE]  }
0x30: {  	s3 =	sld [smem:$0x3FB1]  }
0x31: {  	[smem:$0x3FBA] =	sst s10  }
0x32: {  	s10 =	sld [smem:$0x3FB8];
	_ =	sdelay $0x3  }
0x33: {  	p0 =	seq.s32 s10, $0x1;
	s10 =	sld [smem:$0x3FBA];
	_ =	sdelay $0x3  }
0x34: {  	[smem:$0x3FBA] =	sst s10  }
0x35: {  	s10 =	sld [smem:$0x3FB9];
	_ =	sdelay $0x3  }
0x36: {  	p1 =	seq.s32 s10, $0x1;
	s10 =	sld [smem:$0x3FBA];
	_ =	sdelay $0x3  }
0x37: {  	[smem:$0x3FBA] =	sst s10  }
0x38: {  	s10 =	sld [smem:$0x3FBB]  }
0x39: {  	_ = 	snop;
	(pc) =	sbr.ind lr, $3  }
0x3a: {  	_ = 	snop  }
0x3b: {  	_ = 	snop  }
0x3c: {  	p2 =	seq.s32 s10, $0x1;
	s10 =	sld [smem:$0x3FBA]  }
0x3d: {  	_ =	shalt  }
0x3e: {  	_ =	shalt  }
0x3f: {  	_ =	shalt  }
0x40: {  	_ =	shalt  }
0x41: {  	_ =	shalt  }
0x42: {  	_ =	shalt  }
0x43: {  	_ =	shalt  }
0x44: {  	_ =	shalt  }
0x45: {  	_ =	shalt  }
0x46: {  	_ =	shalt  }
0x47: {  	_ =	shalt  }
0x48: {  	_ =	shalt  }
0x49: {  	_ =	shalt  }
0x4a: {  	_ =	shalt  }
0x4b: {  	_ =	shalt  }
0x4c: {  	_ =	shalt  }
0x4d: {  	_ =	shalt  }
0x4e: {  	_ =	shalt  }
0x4f: {  	_ =	shalt  }
0x50: {  	_ =	shalt  }
0x51: {  	_ =	shalt  }
0x52: {  	_ =	shalt  }
0x53: {  	_ =	shalt  }
0x54: {  	_ =	shalt  }
0x55: {  	_ =	shalt  }
0x56: {  	_ =	shalt  }
0x57: {  	_ =	shalt  }
0x58: {  	_ =	shalt  }
0x59: {  	_ =	shalt  }
0x5a: {  	_ =	shalt  }
0x5b: {  	_ =	shalt  }
0x5c: {  	_ =	shalt  }
0x5d: {  	_ =	shalt  }
0x5e: {  	_ =	shalt  }
0x5f: {  	_ =	shalt  }
0x60: {  	_ =	shalt  }
0x61: {  	_ =	shalt  }
0x62: {  	_ =	shalt  }
0x63: {  	_ =	shalt  }
0x64: {  	_ =	shalt  }
0x65: {  	_ =	shalt  }
0x66: {  	_ =	shalt  }
0x67: {  	_ =	shalt  }
0x68: {  	_ =	shalt  }
0x69: {  	_ =	shalt  }
0x6a: {  	_ =	shalt  }
0x6b: {  	_ =	shalt  }
0x6c: {  	_ =	shalt  }
0x6d: {  	_ =	shalt  }
0x6e: {  	_ =	shalt  }
0x6f: {  	_ =	shalt  }
0x70: {  	_ =	shalt  }
0x71: {  	_ =	shalt  }
0x72: {  	_ =	shalt  }
0x73: {  	_ =	shalt  }
0x74: {  	_ =	shalt  }
0x75: {  	_ =	shalt  }
0x76: {  	_ =	shalt  }
0x77: {  	_ =	shalt  }
0x78: {  	_ =	shalt  }
0x79: {  	_ =	shalt  }
0x7a: {  	_ =	shalt  }
0x7b: {  	_ =	shalt  }
0x7c: {  	_ =	shalt  }
0x7d: {  	_ =	shalt  }
0x7e: {  	_ =	shalt  }
0x7f: {  	_ =	shalt  }
0x80: {  	_ =	shalt  }
0x81: {  	_ =	shalt  }
0x82: {  	_ =	shalt  }
0x83: {  	_ =	shalt  }
0x84: {  	_ =	shalt  }
0x85: {  	_ =	shalt  }
0x86: {  	_ =	shalt  }
0x87: {  	_ =	shalt  }
.Lfunc_end0:
.L_simem_size_0:
called_computation_lowered:
.L_overlay_start_0:
0x88: {  	s2 =	sld [smem:$0x3FD9]  }
0x89: {  	s3 =	sld [smem:$0x3FFE];
	_ =	sdelay $0x1  }
0x8a: {  	s1 =	srdreg.scid  }
0x8b: {  	s0 =	sand.u32 $0x1, s1  }
0x8c: {  	s17 =	sshll.u32 s0, $0xA;
	s2 =	sadd.s32 s3, s2  }
0x8d: {  	s2 =	sadd.s32 s2, s17  }
0x8e: {  	[smem:$0x3FC6] =	sst s2  }
0x8f: {  	_ = 	snop  }
0x90: {  	s2 =	sld [smem:$0x3FC8]  }
0x91: {  	s18 =	sld [smem:$0x3FD0];
	(tm) =	ssettm $0x1  }
0x92: {  	s4 =	sld [smem:$0x3FFB];
	_ =	sdelay $0x3  }
0x93: {  	_ =	strace s4  }
0x94: {  	s4 =	sld [smem:$0x3FFC];
	_ =	sdelay $0x3  }
0x95: {  	_ =	strace s4  }
0x96: {  	s4 =	sld [smem:$0x3FFD];
	_ =	sdelay $0x3  }
0x97: {  	_ =	strace s4  }
0x98: {  	_ =	strace $0x8FFFFFFF  }
0x99: {  	s19 =	sld [smem:$0x3FDB];
	_ =	sdelay $0x1  }
0x9a: {  	s5 =	simm.s32 $_scs_section_size  }
0x9b: {  	s6 =	simm.s32 $_size__tile_overlayer_lowered;
	s7 =	simm.s32 $_tile_overlayer_lowered  }
0x9c: {  	s22 =	simm.s32 $0x1BFF;
	s21 =	sshll.u32 s7, $0x1;
	s4 =	sadd.s32 s5, s19  }
0x9d: {  	s8 =	simm.s32 $0x0;
	s20 =	sshll.u32 s6, $0x1;
	s6 =	sadd.s32 s21, s4  }
0x9e: {  	[timem:s8], [sflag:s22] =	dma.local [hbm:s6], s20  }
0x9f: {  	_ =	swait.ge [sflag:s22], s20  }
0xa0: {  	s5 =	ssub.s32 $0x0, s20;
	[sflag:s22] =	ssyncset.done $0x0  }
0xa1: {  	[sflag:s22] =	ssyncadd.s32 s5;
	_ =	sdelay $0x1  }
0xa2: {  	s23 =	simm.s32 $0x1B8B  }
0xa3: {  	_ =	swait.ge [sflag:s23], $0x1  }
0xa4: {  	[sflag:s23] =	ssyncset.done $0x0  }
0xa5: {  	s25 =	simm.s32 $0x1B8E;
	s24 =	sld [smem:$0x3FFE];
	[sflag:s23] =	ssyncadd.s32 $0xFFFFFFFF  }
0xa6: {  	s26 =	simm.s32 $execute0_lowered;
	[smem:$0x3FD2] =	sst s25  }
0xa7: {  	s6 =	sshll.u32 s26, $0x1;
	_ =	strace $0x80000046;
	[dreg:$0x1] =	wrdreg $0xFFFFFFFF  }
0xa8: {  	s28 =	simm.s32 $_size_execute0_lowered;
	s4 =	sadd.s32 s4, s6;
	[dreg:$0x0] =	wrdreg $0x0  }
0xa9: {  	s6 =	sshll.u32 s28, $0x1;
	[dreg:$0x2] =	wrdreg s4  }
0xaa: {  	[dreg:$0x3] =	wrdreg s6  }
0xab: {  	[dreg:$0x4] =	wrdreg $0xC0  }
0xac: {  	_ =	task [dreg:s8], $0x5FFFF  }
0xad: {  	[dreg:$0x1] =	wrdreg $0xFFFFFFFF  }
0xae: {  	[dreg:$0x0] =	wrdreg $0x60  }
0xaf: {  	[dreg:$0x2] =	wrdreg s2  }
0xb0: {  	[dreg:$0x3] =	wrdreg s24  }
0xb1: {  	[dreg:$0x4] =	wrdreg s18  }
0xb2: {  	[dreg:$0x5] =	wrdreg $0x102000  }
0xb3: {  	[dreg:$0x6] =	wrdreg $0x9  }
0xb4: {  	_ =	task.clear_ibuf [dreg:s8], $0x7FFFF;
	_ =	strace $0x90000046  }
0xb5: {  	s29 =	simm.s32 $0x9;
	_ =	strace $0x80000048  }
0xb6: {  	_ =	swait.ge [sflag:s29], $0x1  }
0xb7: {  	[sflag:s29] =	ssyncadd.s32 $0xFFFFFFFF  }
0xb8: {  	_ =	strace $0x90000048  }
0xb9: {  	_ =	sfence  }
0xba: {  	s30 =	sld [smem:$0x0];
	_ =	sdelay $0x2  }
0xbb: {  	s31 =	sshll.u32 s1, $0xD;
	s1 =	sshrl.u32 s1, $0x2  }
0xbc: {  	s3 =	sand.u32 $0x4000, s31;
	s1 =	sadd.s32 s1, s30  }
0xbd: {  	s0 =	sor.u32 s3, s0;
	s1 =	sshll.u32 s1, $0x11  }
0xbe: {  	s0 =	sor.u32 s1, s0  }
0xbf: {  	s0 =	sadd.s32 $0x8F2B, s0  }
0xc0: {  	[sflag:s0] =	ssyncadd.remote.s32 $0x1  }
0xc1: {  	_ =	sfence.sel $0xFFFF  }
0xc2: {  	[dreg:$0x0] =	wrdreg $0xFFFFFFFF;
	(pc) =	sbr.abs _section_cstart, $3  }
0xc3: {  	[dreg:$0x1] =	wrdreg $0xFFFFFFFF  }
0xc4: {  	_ =	task.clear_ibuf [dreg:s8], $0x2FFFF;
	_ =	strace $0x9FFFFFFF  }
0xc5: {  	(tm) =	ssettm $0x7FFFFFFF  }
tec
execute0_lowered:
.L_overlay_start_1:
0x0: {  	(tag) =	ssettag $0x1  }
0x1: {  	s6 =	rddreg [dreg:$0x0]  }
0x2: {  	s3 =	rddreg [dreg:$0x1]  }
0x3: {  	s8 =	rddreg [dreg:$0x2]  }
0x4: {  	s2 =	rddreg [dreg:$0x3]  }
0x5: {  	s0 =	rddreg [dreg:$0x4];
	s1 =	simm.s32 $0x0  }
0x6: {  	s4 =	srdreg.scid;
	s9 =	stileid.u32;
	s19 =	simm.s32 $0x80  }
0x7: {  	s20 =	simm.s32 $0x100;
	s21 =	simm.s32 $0x180;
	s18 =	simm.s32 $0x3  }
0x8: {  	p1 =	por $0x0, $0x0;
	[smem:$0x7FF] =	sst s1;
	s4 =	sand.u32 $0x1, s4  }
0x9: {  	s7 =	sshll.u32 s9, $0xA;
	s3 =	sadd.s32 $0x600, s3;
	p0 =	sne.s32 s9, $0x0  }
0xa: {  	s9 =	simm.s32 $0xC200;
	s5 =	ssub.s32 $0x2, s4;
	s4 =	sshll.u32 s4, $0x9  }
0xb: {  	_ =	strace $0x80000047;
	s10 =	sshrl.u32 s5, $0x1;
	s4 =	sor.u32 s4, s7  }
0xc: {  	s10 =	ssub.s32 s5, s10;
	s22 =	sshrl.u32 s4, $0x3;
	s12 =	sor.u32 $0x80, s4  }
0xd: {  	s14 =	sor.u32 $0x100, s4;
	s17 =	sor.u32 $0x180, s4;
	s4 =	sshll.u32 s4, $0x4  }
0xe: {  	s16 =	sadd.s32 s3, s22;
	s23 =	sshrl.u32 s12, $0x3;
	s24 =	sshrl.u32 s14, $0x3  }
0xf: {  	s25 =	sshrl.u32 s17, $0x3;
	s7 =	sadd.s32 s8, s4;
	s31 =	smax.u32 s10, $0x1  }
0x10: {  	s26 =	sshll.u32 s12, $0x4;
	s28 =	sshll.u32 s14, $0x4;
	s29 =	sadd.s32 $0xFFFFFFFF, s31  }
0x11: {  	s30 =	sshll.u32 s17, $0x4;
	s17 =	simm.s32 $0x200;
	p2 =	sne.s32 s29, $0x0  }
.Ltmp0:
0x12: {  	s12 =	simm.s32 $0x4200;
	s10 =	simm.s32 $0x8200;
	(pc) =	sbr.rel @!p2 .LBB2_3-.Ltmp0, $4  }
0x13: {  	s22 =	simm.s32 $0x2;
	s14 =	simm.s32 $0x4;
	s15 =	sadd.s32 s3, s23  }
0x14: {  	s13 =	sadd.s32 s3, s24;
	s11 =	sadd.s32 s3, s25;
	s5 =	sadd.s32 s8, s26  }
0x15: {  	s4 =	sadd.s32 s8, s28;
	s3 =	sadd.s32 s8, s30;
	s25 =	sshrl.u32 @!p0 s2, $0x3  }
0x16: {  	s23 =	simm.s32 $0x6;
	s24 =	simm.s32 $0x1;
	s8 =	simm.s32 $0x5  }
0x17: {  	s26 =	simm.s32 @!p0 $0x1C06;
	s28 =	simm.s32 @!p0 $0x6  }
0x18: {  	[spmem:s25], [sflag:s26] =	dma.local @!p0 [hbm:s6], $0x3E80  }
0x19: {  	_ =	swait.ge @!p0 [sflag:s28], $0x3E80  }
0x1a: {  	[sflag:s28] =	ssyncset.done @!p0 $0x0  }
0x1b: {  	[sflag:s28] =	ssyncadd.s32 @!p0 $0xFFFFC180  }
0x1c: {  	[tilespmem:s1], [sflag:$0x6] =	stream.linear.gather [hbm4b:s16+s1], $0x80, $0x38;
	[tilespmem:$0x12140] =	vst v63  }
0x1d: {  	_ =	swait.ge [sflag:s23], $0x80  }
0x1e: {  	[sflag:s23] =	ssyncset.done $0x0  }
0x1f: {  	[sflag:s23] =	ssyncadd.s32 $0xFFFFFF80  }
0x20: {  	[tilespmem:s19], [sflag:$0x6] =	stream.linear.gather [hbm4b:s15+s1], $0x80, $0x38;
	[tilespmem:$0x12140] =	vst v63  }
0x21: {  	_ =	swait.ge [sflag:s23], $0x80  }
0x22: {  	[sflag:s23] =	ssyncset.done $0x0  }
0x23: {  	[sflag:s23] =	ssyncadd.s32 $0xFFFFFF80  }
0x24: {  	[tilespmem:s20], [sflag:$0x6] =	stream.linear.gather [hbm4b:s13+s1], $0x80, $0x38;
	[tilespmem:$0x12140] =	vst v63  }
0x25: {  	_ =	swait.ge [sflag:s23], $0x80  }
0x26: {  	[sflag:s23] =	ssyncset.done $0x0  }
0x27: {  	[sflag:s23] =	ssyncadd.s32 $0xFFFFFF80  }
0x28: {  	[tilespmem:s21], [sflag:$0x6] =	stream.linear.gather [hbm4b:s11+s1], $0x80, $0x38;
	[tilespmem:$0x12140] =	vst v63  }
0x29: {  	_ =	swait.ge [sflag:s23], $0x80  }
0x2a: {  	[sflag:s23] =	ssyncset.done $0x0  }
0x2b: {  	[sflag:s23] =	ssyncadd.s32 $0xFFFFFF80  }
0x2c: {  	[bflag:$0x0] =	sbarrier.arrive $0xFFFF  }
0x2d: {  	[tilespmem:s17], [sflag:$0x1] =	stream.indirect.gather [spmem:s2], $0x80, s1, s19, $0xb8;
	[tilespmem:$0x12140] =	vst v63  }
0x2e: {  	_ = 	snop  }
0x2f: {  	[tilespmem:s12], [sflag:$0x2] =	stream.indirect.gather [spmem:s2], $0x80, s19, s19, $0xb8;
	[tilespmem:$0x12140] =	vst v63  }
0x30: {  	_ = 	snop  }
0x31: {  	[tilespmem:s10], [sflag:$0x3] =	stream.indirect.gather [spmem:s2], $0x80, s20, s19, $0xb8;
	[tilespmem:$0x12140] =	vst v63  }
0x32: {  	_ = 	snop  }
0x33: {  	[tilespmem:s9], [sflag:$0x4] =	stream.indirect.gather [spmem:s2], $0x80, s21, s19, $0xb8;
	[tilespmem:$0x12140] =	vst v63  }
0x34: {  	_ =	swait.ge [sflag:s24], $0x4000  }
0x35: {  	[sflag:s24] =	ssyncset.done $0x0  }
0x36: {  	[sflag:s24] =	ssyncadd.s32 $0xFFFFC000  }
0x37: {  	[hbm4b:s7+s1] =	stream.linear.scatter [tilespmem:s17], [sflag:$0x5], $0x4000, $0x38;
	[tilespmem:$0x12140] =	vst v63  }
0x38: {  	_ =	swait.ge [sflag:s22], $0x4000  }
0x39: {  	[sflag:s22] =	ssyncset.done $0x0  }
0x3a: {  	[sflag:s22] =	ssyncadd.s32 $0xFFFFC000  }
0x3b: {  	[hbm4b:s5+s1] =	stream.linear.scatter [tilespmem:s12], [sflag:$0x5], $0x4000, $0x38;
	[tilespmem:$0x12140] =	vst v63  }
0x3c: {  	_ =	swait.ge [sflag:s18], $0x4000  }
0x3d: {  	[sflag:s18] =	ssyncset.done $0x0  }
0x3e: {  	[sflag:s18] =	ssyncadd.s32 $0xFFFFC000  }
0x3f: {  	[hbm4b:s4+s1] =	stream.linear.scatter [tilespmem:s10], [sflag:$0x5], $0x4000, $0x38;
	[tilespmem:$0x12140] =	vst v63  }
0x40: {  	_ =	swait.ge [sflag:s14], $0x4000  }
0x41: {  	[sflag:s14] =	ssyncset.done $0x0  }
0x42: {  	[sflag:s14] =	ssyncadd.s32 $0xFFFFC000  }
0x43: {  	[hbm4b:s3+s1] =	stream.linear.scatter [tilespmem:s9], [sflag:$0x5], $0x4000, $0x38;
	[tilespmem:$0x12140] =	vst v63  }
0x44: {  	_ =	swait.ge [sflag:s8], $0x4000  }
0x45: {  	[sflag:s8] =	ssyncset.done $0x0  }
0x46: {  	[sflag:s8] =	ssyncadd.s32 $0xFFFFC000  }
0x47: {  	_ =	swait.ge [sflag:s8], $0x4000  }
0x48: {  	s29 =	sadd.s32 $0xFFFFFFFF, s29;
	[sflag:s8] =	ssyncset.done $0x0  }
0x49: {  	p2 =	sne.s32 s29, $0x0;
	[sflag:s8] =	ssyncadd.s32 $0xFFFFC000  }
.Ltmp1:
0x4a: {  	_ =	swait.ge [sflag:s8], $0x4000;
	(pc) =	sbr.rel @!p2 .LBB2_3-.Ltmp1, $4  }
0x4b: {  	[sflag:s8] =	ssyncset.done $0x0  }
0x4c: {  	[sflag:s8] =	ssyncadd.s32 $0xFFFFC000  }
0x4d: {  	_ =	swait.ge [sflag:s8], $0x4000  }
0x4e: {  	p1 =	por $0x1, $0x1;
	[sflag:s8] =	ssyncset.done $0x0  }
.LBB2_2:
0x4f: {  	[sflag:s8] =	ssyncadd.s32 $0xFFFFC000  }
0x50: {  	[spmem:s25], [sflag:s26] =	dma.local @!p0 [hbm:s6], $0x3E80  }
0x51: {  	s29 =	sadd.s32 $0xFFFFFFFF, s29;
	_ =	swait.ge @!p0 [sflag:s28], $0x3E80  }
0x52: {  	p2 =	sne.s32 s29, $0x0;
	[sflag:s28] =	ssyncset.done @!p0 $0x0  }
0x53: {  	[sflag:s28] =	ssyncadd.s32 @!p0 $0xFFFFC180  }
0x54: {  	[tilespmem:s1], [sflag:$0x6] =	stream.linear.gather [hbm4b:s16+s1], $0x80, $0x38;
	[tilespmem:$0x12140] =	vst v63  }
0x55: {  	_ =	swait.ge [sflag:s23], $0x80  }
0x56: {  	[sflag:s23] =	ssyncset.done $0x0  }
0x57: {  	[sflag:s23] =	ssyncadd.s32 $0xFFFFFF80  }
0x58: {  	[tilespmem:s19], [sflag:$0x6] =	stream.linear.gather [hbm4b:s15+s1], $0x80, $0x38;
	[tilespmem:$0x12140] =	vst v63  }
0x59: {  	_ =	swait.ge [sflag:s23], $0x80  }
0x5a: {  	[sflag:s23] =	ssyncset.done $0x0  }
0x5b: {  	[sflag:s23] =	ssyncadd.s32 $0xFFFFFF80  }
0x5c: {  	[tilespmem:s20], [sflag:$0x6] =	stream.linear.gather [hbm4b:s13+s1], $0x80, $0x38;
	[tilespmem:$0x12140] =	vst v63  }
0x5d: {  	_ =	swait.ge [sflag:s23], $0x80  }
0x5e: {  	[sflag:s23] =	ssyncset.done $0x0  }
0x5f: {  	[sflag:s23] =	ssyncadd.s32 $0xFFFFFF80  }
0x60: {  	[tilespmem:s21], [sflag:$0x6] =	stream.linear.gather [hbm4b:s11+s1], $0x80, $0x38;
	[tilespmem:$0x12140] =	vst v63  }
0x61: {  	_ =	swait.ge [sflag:s23], $0x80  }
0x62: {  	[sflag:s23] =	ssyncset.done $0x0  }
0x63: {  	[sflag:s23] =	ssyncadd.s32 $0xFFFFFF80  }
0x64: {  	[bflag:$0x0] =	sbarrier.arrive $0xFFFF  }
0x65: {  	[tilespmem:s17], [sflag:$0x1] =	stream.indirect.gather [spmem:s2], $0x80, s1, s19, $0xb8;
	[tilespmem:$0x12140] =	vst v63  }
0x66: {  	_ = 	snop  }
0x67: {  	[tilespmem:s12], [sflag:$0x2] =	stream.indirect.gather [spmem:s2], $0x80, s19, s19, $0xb8;
	[tilespmem:$0x12140] =	vst v63  }
0x68: {  	_ = 	snop  }
0x69: {  	[tilespmem:s10], [sflag:$0x3] =	stream.indirect.gather [spmem:s2], $0x80, s20, s19, $0xb8;
	[tilespmem:$0x12140] =	vst v63  }
0x6a: {  	_ = 	snop  }
0x6b: {  	[tilespmem:s9], [sflag:$0x4] =	stream.indirect.gather [spmem:s2], $0x80, s21, s19, $0xb8;
	[tilespmem:$0x12140] =	vst v63  }
0x6c: {  	_ =	swait.ge [sflag:s24], $0x4000  }
0x6d: {  	[sflag:s24] =	ssyncset.done $0x0  }
0x6e: {  	[sflag:s24] =	ssyncadd.s32 $0xFFFFC000  }
0x6f: {  	[hbm4b:s7+s1] =	stream.linear.scatter [tilespmem:s17], [sflag:$0x5], $0x4000, $0x38;
	[tilespmem:$0x12140] =	vst v63  }
0x70: {  	_ =	swait.ge [sflag:s22], $0x4000  }
0x71: {  	[sflag:s22] =	ssyncset.done $0x0  }
0x72: {  	[sflag:s22] =	ssyncadd.s32 $0xFFFFC000  }
0x73: {  	[hbm4b:s5+s1] =	stream.linear.scatter [tilespmem:s12], [sflag:$0x5], $0x4000, $0x38;
	[tilespmem:$0x12140] =	vst v63  }
0x74: {  	_ =	swait.ge [sflag:s18], $0x4000  }
0x75: {  	[sflag:s18] =	ssyncset.done $0x0  }
0x76: {  	[sflag:s18] =	ssyncadd.s32 $0xFFFFC000  }
0x77: {  	[hbm4b:s4+s1] =	stream.linear.scatter [tilespmem:s10], [sflag:$0x5], $0x4000, $0x38;
	[tilespmem:$0x12140] =	vst v63  }
0x78: {  	_ =	swait.ge [sflag:s14], $0x4000  }
0x79: {  	[sflag:s14] =	ssyncset.done $0x0  }
0x7a: {  	[sflag:s14] =	ssyncadd.s32 $0xFFFFC000  }
0x7b: {  	[hbm4b:s3+s1] =	stream.linear.scatter [tilespmem:s9], [sflag:$0x5], $0x4000, $0x38;
	[tilespmem:$0x12140] =	vst v63  }
0x7c: {  	_ =	swait.ge [sflag:s8], $0x4000  }
0x7d: {  	[sflag:s8] =	ssyncset.done $0x0  }
0x7e: {  	[sflag:s8] =	ssyncadd.s32 $0xFFFFC000  }
0x7f: {  	_ =	swait.ge [sflag:s8], $0x4000  }
0x80: {  	[sflag:s8] =	ssyncset.done $0x0  }
0x81: {  	[sflag:s8] =	ssyncadd.s32 $0xFFFFC000  }
.Ltmp2:
0x82: {  	_ =	swait.ge [sflag:s8], $0x4000;
	(pc) =	sbr.rel @p2 .LBB2_2-.Ltmp2, $4  }
0x83: {  	[sflag:s8] =	ssyncset.done $0x0  }
0x84: {  	[sflag:s8] =	ssyncadd.s32 $0xFFFFC000  }
0x85: {  	_ =	swait.ge [sflag:s8], $0x4000  }
0x86: {  	[sflag:s8] =	ssyncset.done $0x0  }
.LBB2_3:
0x87: {  	[sflag:s8] =	ssyncadd.s32 @p1 $0xFFFFC000;
	s26 =	simm.s32 @!p0 $0x1C06  }
0x88: {  	[spmem:s25], [sflag:s26] =	dma.local @!p0 [hbm:s6], $0x3E80  }
0x89: {  	s6 =	simm.s32 @!p0 $0x6  }
0x8a: {  	_ =	swait.ge @!p0 [sflag:s6], $0x3E80  }
0x8b: {  	[sflag:s6] =	ssyncset.done @!p0 $0x0  }
0x8c: {  	[sflag:s6] =	ssyncadd.s32 @!p0 $0xFFFFC180  }
0x8d: {  	[tilespmem:s1], [sflag:$0x6] =	stream.linear.gather [hbm4b:s16+s1], $0x80, $0x38;
	[tilespmem:$0x12140] =	vst v63  }
0x8e: {  	_ =	swait.ge [sflag:s23], $0x80  }
0x8f: {  	[sflag:s23] =	ssyncset.done $0x0  }
0x90: {  	[sflag:s23] =	ssyncadd.s32 $0xFFFFFF80  }
0x91: {  	[tilespmem:s19], [sflag:$0x6] =	stream.linear.gather [hbm4b:s15+s1], $0x80, $0x38;
	[tilespmem:$0x12140] =	vst v63  }
0x92: {  	_ =	swait.ge [sflag:s23], $0x80  }
0x93: {  	[sflag:s23] =	ssyncset.done $0x0  }
0x94: {  	[sflag:s23] =	ssyncadd.s32 $0xFFFFFF80  }
0x95: {  	[tilespmem:s20], [sflag:$0x6] =	stream.linear.gather [hbm4b:s13+s1], $0x80, $0x38;
	[tilespmem:$0x12140] =	vst v63  }
0x96: {  	_ =	swait.ge [sflag:s23], $0x80  }
0x97: {  	[sflag:s23] =	ssyncset.done $0x0  }
0x98: {  	[sflag:s23] =	ssyncadd.s32 $0xFFFFFF80  }
0x99: {  	[tilespmem:s21], [sflag:$0x6] =	stream.linear.gather [hbm4b:s11+s1], $0x80, $0x38;
	[tilespmem:$0x12140] =	vst v63  }
0x9a: {  	_ =	swait.ge [sflag:s23], $0x80  }
0x9b: {  	[sflag:s23] =	ssyncset.done $0x0  }
0x9c: {  	[sflag:s23] =	ssyncadd.s32 $0xFFFFFF80  }
0x9d: {  	[bflag:$0x0] =	sbarrier.arrive $0xFFFF  }
0x9e: {  	[tilespmem:s17], [sflag:$0x1] =	stream.indirect.gather [spmem:s2], $0x80, s1, s19, $0xb8;
	[tilespmem:$0x12140] =	vst v63  }
0x9f: {  	_ = 	snop  }
0xa0: {  	[tilespmem:s12], [sflag:$0x2] =	stream.indirect.gather [spmem:s2], $0x80, s19, s19, $0xb8;
	[tilespmem:$0x12140] =	vst v63  }
0xa1: {  	_ = 	snop  }
0xa2: {  	[tilespmem:s10], [sflag:$0x3] =	stream.indirect.gather [spmem:s2], $0x80, s20, s19, $0xb8;
	[tilespmem:$0x12140] =	vst v63  }
0xa3: {  	_ = 	snop  }
0xa4: {  	[tilespmem:s9], [sflag:$0x4] =	stream.indirect.gather [spmem:s2], $0x80, s21, s19, $0xb8;
	[tilespmem:$0x12140] =	vst v63  }
0xa5: {  	_ =	swait.ge [sflag:s24], $0x4000  }
0xa6: {  	[sflag:s24] =	ssyncset.done $0x0  }
0xa7: {  	[sflag:s24] =	ssyncadd.s32 $0xFFFFC000  }
0xa8: {  	[hbm4b:s7+s1] =	stream.linear.scatter [tilespmem:s17], [sflag:$0x5], $0x4000, $0x38;
	[tilespmem:$0x12140] =	vst v63  }
0xa9: {  	_ =	swait.ge [sflag:s22], $0x4000  }
0xaa: {  	[sflag:s22] =	ssyncset.done $0x0  }
0xab: {  	[sflag:s22] =	ssyncadd.s32 $0xFFFFC000  }
0xac: {  	[hbm4b:s5+s1] =	stream.linear.scatter [tilespmem:s12], [sflag:$0x5], $0x4000, $0x38;
	[tilespmem:$0x12140] =	vst v63  }
0xad: {  	_ =	swait.ge [sflag:s18], $0x4000  }
0xae: {  	[sflag:s18] =	ssyncset.done $0x0  }
0xaf: {  	[sflag:s18] =	ssyncadd.s32 $0xFFFFC000  }
0xb0: {  	[hbm4b:s4+s1] =	stream.linear.scatter [tilespmem:s10], [sflag:$0x5], $0x4000, $0x38;
	[tilespmem:$0x12140] =	vst v63  }
0xb1: {  	_ =	swait.ge [sflag:s14], $0x4000  }
0xb2: {  	[sflag:s14] =	ssyncset.done $0x0  }
0xb3: {  	[sflag:s14] =	ssyncadd.s32 $0xFFFFC000  }
0xb4: {  	[hbm4b:s3+s1] =	stream.linear.scatter [tilespmem:s9], [sflag:$0x5], $0x4000, $0x38;
	[tilespmem:$0x12140] =	vst v63  }
0xb5: {  	_ =	swait.ge [sflag:s8], $0x4000  }
0xb6: {  	[sflag:s8] =	ssyncset.done $0x0  }
0xb7: {  	[sflag:s8] =	ssyncadd.s32 $0xFFFFC000  }
0xb8: {  	_ =	swait.ge [sflag:s8], $0x4000  }
0xb9: {  	[sflag:s8] =	ssyncset.done $0x0  }
0xba: {  	[sflag:s8] =	ssyncadd.s32 $0xFFFFC000  }
0xbb: {  	_ =	swait.ge [sflag:s8], $0x4000  }
0xbc: {  	[sflag:s8] =	ssyncset.done $0x0  }
0xbd: {  	[sflag:s8] =	ssyncadd.s32 $0xFFFFC000  }
0xbe: {  	_ =	swait.ge [sflag:s8], $0x4000  }
0xbf: {  	[sflag:s8] =	ssyncset.done $0x0  }
0xc0: {  	[sflag:s8] =	ssyncadd.s32 $0xFFFFC000  }
0xc1: {  	_ =	sfence.sel $0x180000  }
0xc2: {  	[bflag:$0x0] =	sbarrier.arrive $0xFFFF  }
0xc3: {  	_ =	strace $0x90000047  }
0xc4: {  	s0 =	sadd.s32 @!p0 $0x100000, s0;
	[bflag:$0x2] =	sbarrier.arrive $0xFFFF  }
0xc5: {  	[sflag:s0] =	ssyncadd.tile.s32 @!p0 $0x1;
	_ =	shalt  }
.Lfunc_end2:
_tile_overlayer_lowered:
.L_overlay_start_2:
0xc6: {  	(tag) =	ssettag $0x2  }
0xc7: {  	s0 =	rddreg [dreg:$0x0];
	s2 =	stileid.u32  }
0xc8: {  	s1 =	rddreg [dreg:$0x1];
	p0 =	sne.s32 s2, $0x0  }
0xc9: {  	s3 =	rddreg [dreg:$0x2];
	[bflag:$0x3] =	sbarrier.arrive $0xFFFF;
	s2 =	simm.s32 @!p0 $0x1C06  }
0xca: {  	[timem:s3], [sflag:s2] =	dma.local @!p0 [hbm:s0], s1  }
0xcb: {  	s0 =	simm.s32 @!p0 $0x6  }
0xcc: {  	_ =	swait.ge @!p0 [sflag:s0], s1  }
0xcd: {  	s1 =	ssub.s32 @!p0 $0x0, s1;
	[sflag:s0] =	ssyncset.done @!p0 $0x0  }
0xce: {  	[sflag:s0] =	ssyncadd.s32 @!p0 s1  }
0xcf: {  	[bflag:$0x3] =	sbarrier.arrive $0xFFFF  }
0xd0: {  	_ =	shalt  }

</sc_bundles>
